<compile_context>
chip_gen: v7x
topology: tpu7x:2x2x1
jax: 0.10.2.dev20260603
libtpu: 0.0.44.dev20260713+nightly
codegen_flags: <defaults>
</compile_context>

<pallas_src>
import jax
import jax.numpy as jnp
from jax.experimental import pallas as pl
from jax.experimental.pallas import tpu as pltpu

B, T, F = 32, 512, 65
MID = 32
K = 512
TB = 128
NT = T // TB
CB_COLS = TB * F
HIGHEST = jax.lax.Precision.HIGHEST


def _rne_bf16(v):
    u = jax.lax.bitcast_convert_type(v, jnp.int32)
    u = (u + 32767 + ((u >> 16) & 1)) & jnp.int32(-65536)
    return jax.lax.bitcast_convert_type(u, jnp.float32)


def _main_body(xk_ref, hl_ref, cbf_ref, cb2d_ref, p_ref, w2_ref, b2_ref,
               s_ref, x_ref, xcb_ref, dist_s):
    t = pl.program_id(1)
    a0 = p_ref[:, 0:1]
    a1 = p_ref[:, 1:2]
    b1 = p_ref[:, 2:3]
    mean = p_ref[:, 3:4]
    sq = p_ref[:, 4:5]
    bng = p_ref[:, 5:6]
    bnb = p_ref[:, 6:7]
    p1 = p_ref[:, 7:8]
    lng = p_ref[:, 8:9]
    lnb = p_ref[:, 9:10]
    p2 = p_ref[:, 10:11]

    z = a0 * xk_ref[0] + a1 * hl_ref[0] + b1
    y = (z - mean) / sq * bng + bnb
    z1 = jnp.where(y >= 0, y, p1 * y)
    z1r = _rne_bf16(z1)
    x2 = jnp.dot(w2_ref[...], z1r, preferred_element_type=jnp.float32,
                 precision=HIGHEST) + b2_ref[...]
    ah = x2[0:MID, :]
    g = x2[MID:2 * MID, :]
    x3 = ah * jax.nn.sigmoid(g)
    mu = jnp.mean(x3, axis=0, keepdims=True)
    dv = x3 - mu
    var = jnp.mean(dv * dv, axis=0, keepdims=True)
    xn = dv / jnp.sqrt(var + 1e-5) * lng + lnb
    x4 = jnp.where(xn >= 0, xn, p2 * xn)
    x_ref[0, :, :] = x4

    diff = x4 - cbf_ref[...]
    dist = jnp.dot(diff * diff, s_ref[...], preferred_element_type=jnp.float32,
                   precision=HIGHEST)
    dist_s[:, pl.ds(t * TB, TB)] = dist

    @pl.when(t == NT - 1)
    def _():
        dall = dist_s[...]
        minv = jnp.min(dall, axis=1, keepdims=True)
        iota = jax.lax.broadcasted_iota(jnp.int32, (MID, T), 1)
        idx = jnp.min(jnp.where(dall <= minv, iota, T), axis=1, keepdims=True)
        oh = (iota == idx).astype(jnp.float32)
        xcb = jnp.dot(oh, cb2d_ref[...], preferred_element_type=jnp.float32,
                      precision=HIGHEST)
        xcb_ref[0, :, 0, :] = xcb


def _bcast_body(xcb_ref, out_ref):
    out_ref[0, :, :, :] = jnp.broadcast_to(
        xcb_ref[...][0][:, None, :], (MID, TB, F))


def kernel(xk, hl, codebook_w, conv1_w, conv1_b, bn_gamma, bn_beta, prelu1_a,
           conv2_w, conv2_b, ln_gamma, ln_beta, prelu2_a):
    rne = lambda v: v.astype(jnp.bfloat16).astype(jnp.float32)
    xkr = rne(xk)
    hlr = rne(hl)
    xkf = xkr.reshape(B, T * F)
    hlf = hlr.reshape(B, T * F)
    w1r = rne(conv1_w)
    w0 = w1r[:, 0]
    w1 = w1r[:, 1]

    zs = jnp.einsum('bctf,oc->botf', jnp.stack([xkr, hlr], axis=1), w1r,
                    precision=HIGHEST) + conv1_b[None, :, None, None]
    mean = jnp.mean(zs, axis=(0, 2, 3))
    var = jnp.var(zs, axis=(0, 2, 3))
    sq = jnp.sqrt(var + 1e-5)
    params = jnp.stack(
        [w0, w1, conv1_b, mean, sq, bn_gamma, bn_beta, prelu1_a,
         ln_gamma, ln_beta, jnp.broadcast_to(prelu2_a, (MID,)),
         jnp.zeros((MID,), jnp.float32)],
        axis=1)

    jj = jax.lax.broadcasted_iota(jnp.int32, (CB_COLS, TB), 0)
    tt = jax.lax.broadcasted_iota(jnp.int32, (CB_COLS, TB), 1)
    seg = (jj // F == tt).astype(jnp.float32)

    xk3 = xkf.reshape(B, 1, T * F)
    hl3 = hlf.reshape(B, 1, T * F)
    cbf = codebook_w.reshape(1, T * F)
    b2 = conv2_b.reshape(2 * MID, 1)
    w2b = rne(conv2_w)

    xflat, x_cb = pl.pallas_call(
        _main_body,
        grid=(B, NT),
        in_specs=[
            pl.BlockSpec((1, 1, CB_COLS), lambda b, t: (b, 0, t)),
            pl.BlockSpec((1, 1, CB_COLS), lambda b, t: (b, 0, t)),
            pl.BlockSpec((1, CB_COLS), lambda b, t: (0, t)),
            pl.BlockSpec((K, F), lambda b, t: (0, 0)),
            pl.BlockSpec((MID, 12), lambda b, t: (0, 0)),
            pl.BlockSpec((2 * MID, MID), lambda b, t: (0, 0)),
            pl.BlockSpec((2 * MID, 1), lambda b, t: (0, 0)),
            pl.BlockSpec((CB_COLS, TB), lambda b, t: (0, 0)),
        ],
        out_specs=[
            pl.BlockSpec((1, MID, CB_COLS), lambda b, t: (b, 0, t)),
            pl.BlockSpec((1, MID, 1, F), lambda b, t: (b, 0, 0, 0)),
        ],
        out_shape=[
            jax.ShapeDtypeStruct((B, MID, T * F), jnp.float32),
            jax.ShapeDtypeStruct((B, MID, 1, F), jnp.float32),
        ],
        scratch_shapes=[pltpu.VMEM((MID, T), jnp.float32)],
    )(xk3, hl3, cbf, codebook_w, params, w2b, b2, seg)

    x_out = pl.pallas_call(
        _bcast_body,
        grid=(B, NT),
        in_specs=[pl.BlockSpec((1, MID, F), lambda b, t: (b, 0, 0))],
        out_specs=pl.BlockSpec((1, MID, TB, F), lambda b, t: (b, 0, t, 0)),
        out_shape=jax.ShapeDtypeStruct((B, MID, T, F), jnp.float32),
    )(x_cb.reshape(B, MID, F))

    x = xflat.reshape(B, MID, T, F)
    return (x_out, x, x_cb)

# --- scband reference (transcript-rebuilt; emitter-appended) ---
"""Pipeline reference for scband-code-book-40630390620792 (READ-ONLY COPY).

The authoritative reference and input builder live on the scoring server;
editing this copy changes nothing except your own understanding.
"""

import jax, jax.numpy as jnp
import numpy as np

B, T, F = 32, 512, 65
MID = 32
NUM_CB, GROUP, DIM_CB = 256, 2, 65
K = NUM_CB * GROUP


def setup_inputs(seed: int = 0) -> dict:
    key = jax.random.key(seed)
    ks = [jax.random.fold_in(key, i) for i in range(8)]
    return {
        "xk": jax.random.normal(ks[0], (B, T, F), dtype=jnp.float32),
        "hl": jax.random.normal(ks[1], (B, T, F), dtype=jnp.float32),
        "codebook_w": jax.random.uniform(ks[2], (K, DIM_CB), minval=-1.0 / K, maxval=1.0 / K, dtype=jnp.float32),
        "conv1_w": jax.random.normal(ks[3], (MID, 2), dtype=jnp.float32) / np.sqrt(2.0),
        "conv1_b": jnp.zeros((MID,), jnp.float32),
        "bn_gamma": jnp.ones((MID,), jnp.float32),
        "bn_beta": jnp.zeros((MID,), jnp.float32),
        "prelu1_a": jnp.full((MID,), 0.25, jnp.float32),
        "conv2_w": jax.random.normal(ks[4], (2 * MID, MID), dtype=jnp.float32) / np.sqrt(float(MID)),
        "conv2_b": jnp.zeros((2 * MID,), jnp.float32),
        "ln_gamma": jnp.ones((MID,), jnp.float32),
        "ln_beta": jnp.zeros((MID,), jnp.float32),
        "prelu2_a": jnp.full((1,), 0.25, jnp.float32),
    }


def _forward(xk, hl, codebook_w, conv1_w, conv1_b, bn_gamma, bn_beta, prelu1_a, conv2_w, conv2_b, ln_gamma, ln_beta, prelu2_a):
    # x = torch.stack([xk, hl], dim=1) -> (b, 2, t, f)
    x = jnp.stack([xk, hl], axis=1)
    # Conv2d(2, mid, 1x1)
    x = jnp.einsum('bctf,oc->botf', x, conv1_w) + conv1_b[None, :, None, None]
    # BatchNorm2d(mid) in train mode (torch default): batch statistics over (b, t, f)
    mean = jnp.mean(x, axis=(0, 2, 3), keepdims=True)
    var = jnp.var(x, axis=(0, 2, 3), keepdims=True)
    x = (x - mean) / jnp.sqrt(var + 1e-5) * bn_gamma[None, :, None, None] + bn_beta[None, :, None, None]
    # PReLU(mid): per-channel slope
    x = jnp.where(x >= 0, x, prelu1_a[None, :, None, None] * x)
    # Conv2d(mid, 2*mid, 1x1)
    x = jnp.einsum('bctf,oc->botf', x, conv2_w) + conv2_b[None, :, None, None]
    # GLU(dim=1)
    a, g = jnp.split(x, 2, axis=1)
    x = a * jax.nn.sigmoid(g)
    # LayerNorm over channel dim: b c t f -> b t f c -> LN(c) -> b c t f
    xt = jnp.transpose(x, (0, 2, 3, 1))
    mu = jnp.mean(xt, axis=-1, keepdims=True)
    v = jnp.var(xt, axis=-1, keepdims=True)
    xt = (xt - mu) / jnp.sqrt(v + 1e-5) * ln_gamma + ln_beta
    x = jnp.transpose(xt, (0, 3, 1, 2))
    # PReLU() single-parameter
    x = jnp.where(x >= 0, x, prelu2_a[0] * x)
    # compute_distance: x.unsqueeze(2) - codebook[None,None,...], sum sq over last dim
    diff = x[:, :, None, :, :] - codebook_w[None, None, None, :, :]  # (b,c,1,K,D) since t==K, f==D
    dist = jnp.sum(diff ** 2, axis=-1)  # (b,c,1,K)
    idx = jnp.argmin(dist, axis=-1)  # (b,c,1)
    x_cb = jnp.take(codebook_w, idx, axis=0)  # (b,c,1,D) gather (SparseCore)
    # straight-through estimator
    x_out = x + jax.lax.stop_gradient(x_cb - x)
    return (x_out, x, x_cb)


def reference(xk, hl, codebook_w, conv1_w, conv1_b, bn_gamma, bn_beta, prelu1_a, conv2_w, conv2_b, ln_gamma, ln_beta, prelu2_a):
    return _forward(xk, hl, codebook_w, conv1_w, conv1_b, bn_gamma, bn_beta, prelu1_a, conv2_w, conv2_b, ln_gamma, ln_beta, prelu2_a)

if __name__ == "__main__":
    import jax
    _d = setup_inputs()
    print(jax.jit(kernel)(*tuple(_d.values())))

</pallas_src>

<mosaic_0001>
module attributes {stable_mosaic.version = 14 : i64} {
  func.func @_main_body(%arg0: i32, %arg1: i32, %arg2: memref<1x1x8320xf32, #tpu.memory_space<vmem>>, %arg3: memref<1x1x8320xf32, #tpu.memory_space<vmem>>, %arg4: memref<1x8320xf32, #tpu.memory_space<vmem>>, %arg5: memref<512x65xf32, #tpu.memory_space<vmem>>, %arg6: memref<32x12xf32, #tpu.memory_space<vmem>>, %arg7: memref<64x32xf32, #tpu.memory_space<vmem>>, %arg8: memref<64x1xf32, #tpu.memory_space<vmem>>, %arg9: memref<8320x128xf32, #tpu.memory_space<vmem>>, %arg10: memref<1x32x8320xf32, #tpu.memory_space<vmem>>, %arg11: memref<1x32x1x65xf32, #tpu.memory_space<vmem>>, %arg12: memref<32x512xf32, #tpu.memory_space<vmem>>) attributes {dimension_semantics = [#tpu.dimension_semantics<arbitrary>, #tpu.dimension_semantics<arbitrary>], iteration_bounds = array<i64: 32, 4>, scalar_prefetch = 0 : i64, scratch_operands = 1 : i64, tpu.core_type = #tpu.core_type<tc>, window_params = [{transform_indices = @transform_0, window_bounds = array<i64: 1, 1, 8320>}, {transform_indices = @transform_1, window_bounds = array<i64: 1, 1, 8320>}, {transform_indices = @transform_2, window_bounds = array<i64: 1, 8320>}, {pipeline_mode = #tpu.pipeline_mode<synchronous>, transform_indices = @transform_3, window_bounds = array<i64: 512, 65>}, {pipeline_mode = #tpu.pipeline_mode<synchronous>, transform_indices = @transform_4, window_bounds = array<i64: 32, 12>}, {pipeline_mode = #tpu.pipeline_mode<synchronous>, transform_indices = @transform_5, window_bounds = array<i64: 64, 32>}, {pipeline_mode = #tpu.pipeline_mode<synchronous>, transform_indices = @transform_6, window_bounds = array<i64: 64, 1>}, {pipeline_mode = #tpu.pipeline_mode<synchronous>, transform_indices = @transform_7, window_bounds = array<i64: 8320, 128>}, {transform_indices = @transform_8, window_bounds = array<i64: 1, 32, 8320>}, {transform_indices = @transform_9, window_bounds = array<i64: 1, 32, 1, 65>}]} {
    %get3A = arith.constant 0 : index
    %get3A_0 = arith.constant 0 : index
    %get3A_1 = vector.load %arg6[%get3A, %get3A_0] : memref<32x12xf32, #tpu.memory_space<vmem>>, vector<32x1xf32>
    %get3A_2 = arith.constant 0 : index
    %get3A_3 = arith.constant 1 : index
    %get3A_4 = vector.load %arg6[%get3A_2, %get3A_3] : memref<32x12xf32, #tpu.memory_space<vmem>>, vector<32x1xf32>
    %get3A_5 = arith.constant 0 : index
    %get3A_6 = arith.constant 2 : index
    %get3A_7 = vector.load %arg6[%get3A_5, %get3A_6] : memref<32x12xf32, #tpu.memory_space<vmem>>, vector<32x1xf32>
    %get3A_8 = arith.constant 0 : index
    %get3A_9 = arith.constant 3 : index
    %get3A_10 = vector.load %arg6[%get3A_8, %get3A_9] : memref<32x12xf32, #tpu.memory_space<vmem>>, vector<32x1xf32>
    %get3A_11 = arith.constant 0 : index
    %get3A_12 = arith.constant 4 : index
    %get3A_13 = vector.load %arg6[%get3A_11, %get3A_12] : memref<32x12xf32, #tpu.memory_space<vmem>>, vector<32x1xf32>
    %get3A_14 = arith.constant 0 : index
    %get3A_15 = arith.constant 5 : index
    %get3A_16 = vector.load %arg6[%get3A_14, %get3A_15] : memref<32x12xf32, #tpu.memory_space<vmem>>, vector<32x1xf32>
    %get3A_17 = arith.constant 0 : index
    %get3A_18 = arith.constant 6 : index
    %get3A_19 = vector.load %arg6[%get3A_17, %get3A_18] : memref<32x12xf32, #tpu.memory_space<vmem>>, vector<32x1xf32>
    %get3A_20 = arith.constant 0 : index
    %get3A_21 = arith.constant 7 : index
    %get3A_22 = vector.load %arg6[%get3A_20, %get3A_21] : memref<32x12xf32, #tpu.memory_space<vmem>>, vector<32x1xf32>
    %get3A_23 = arith.constant 0 : index
    %get3A_24 = arith.constant 8 : index
    %get3A_25 = vector.load %arg6[%get3A_23, %get3A_24] : memref<32x12xf32, #tpu.memory_space<vmem>>, vector<32x1xf32>
    %get3A_26 = arith.constant 0 : index
    %get3A_27 = arith.constant 9 : index
    %get3A_28 = vector.load %arg6[%get3A_26, %get3A_27] : memref<32x12xf32, #tpu.memory_space<vmem>>, vector<32x1xf32>
    %get3A_29 = arith.constant 0 : index
    %get3A_30 = arith.constant 10 : index
    %get3A_31 = vector.load %arg6[%get3A_29, %get3A_30] : memref<32x12xf32, #tpu.memory_space<vmem>>, vector<32x1xf32>
    %get3A_32 = arith.constant 0 : index
    %get3A_33 = arith.constant 0 : index
    %get3A_34 = arith.constant 0 : index
    %get3A_35 = vector.load %arg2[%get3A_32, %get3A_33, %get3A_34] : memref<1x1x8320xf32, #tpu.memory_space<vmem>>, vector<1x1x8320xf32>
    %get3A_36 = vector.shape_cast %get3A_35 : vector<1x1x8320xf32> to vector<1x8320xf32>
    %mul3A = vector.broadcast %get3A_1 : vector<32x1xf32> to vector<32x8320xf32>
    %mul3A_37 = vector.broadcast %get3A_36 : vector<1x8320xf32> to vector<32x8320xf32>
    %mul3A_38 = arith.mulf %mul3A, %mul3A_37 : vector<32x8320xf32>
    %get3A_39 = arith.constant 0 : index
    %get3A_40 = arith.constant 0 : index
    %get3A_41 = arith.constant 0 : index
    %get3A_42 = vector.load %arg3[%get3A_39, %get3A_40, %get3A_41] : memref<1x1x8320xf32, #tpu.memory_space<vmem>>, vector<1x1x8320xf32>
    %get3A_43 = vector.shape_cast %get3A_42 : vector<1x1x8320xf32> to vector<1x8320xf32>
    %mul3A_44 = vector.broadcast %get3A_4 : vector<32x1xf32> to vector<32x8320xf32>
    %mul3A_45 = vector.broadcast %get3A_43 : vector<1x8320xf32> to vector<32x8320xf32>
    %mul3A_46 = arith.mulf %mul3A_44, %mul3A_45 : vector<32x8320xf32>
    %add3A = arith.addf %mul3A_38, %mul3A_46 : vector<32x8320xf32>
    %add3A_47 = vector.broadcast %get3A_7 : vector<32x1xf32> to vector<32x8320xf32>
    %add3A_48 = arith.addf %add3A, %add3A_47 : vector<32x8320xf32>
    %sub3A = vector.broadcast %get3A_10 : vector<32x1xf32> to vector<32x8320xf32>
    %sub3A_49 = arith.subf %add3A_48, %sub3A : vector<32x8320xf32>
    %div3A = vector.broadcast %get3A_13 : vector<32x1xf32> to vector<32x8320xf32>
    %div3A_50 = arith.divf %sub3A_49, %div3A : vector<32x8320xf32>
    %mul3A_51 = vector.broadcast %get3A_16 : vector<32x1xf32> to vector<32x8320xf32>
    %mul3A_52 = arith.mulf %div3A_50, %mul3A_51 : vector<32x8320xf32>
    %add3A_53 = vector.broadcast %get3A_19 : vector<32x1xf32> to vector<32x8320xf32>
    %add3A_54 = arith.addf %mul3A_52, %add3A_53 : vector<32x8320xf32>
    %ge3A = arith.constant 0.000000e+00 : f32
    %ge3A_55 = vector.broadcast %ge3A : f32 to vector<32x8320xf32>
    %ge3A_56 = arith.cmpf oge, %add3A_54, %ge3A_55 : vector<32x8320xf32>
    %mul3A_57 = vector.broadcast %get3A_22 : vector<32x1xf32> to vector<32x8320xf32>
    %mul3A_58 = arith.mulf %mul3A_57, %add3A_54 : vector<32x8320xf32>
    %select_n3A = arith.select %ge3A_56, %add3A_54, %mul3A_58 : vector<32x8320xi1>, vector<32x8320xf32>
    %bitcast_convert_type3A = tpu.bitcast %select_n3A : vector<32x8320xf32> -> vector<32x8320xi32>
    %add3A_59 = arith.constant 32767 : i32
    %add3A_60 = vector.broadcast %add3A_59 : i32 to vector<32x8320xi32>
    %add3A_61 = arith.addi %bitcast_convert_type3A, %add3A_60 : vector<32x8320xi32>
    %shift_right_arithmetic3A = arith.constant 16 : i32
    %shift_right_arithmetic3A_62 = vector.broadcast %shift_right_arithmetic3A : i32 to vector<32x8320xi32>
    %shift_right_arithmetic3A_63 = arith.shrsi %bitcast_convert_type3A, %shift_right_arithmetic3A_62 : vector<32x8320xi32>
    %and3A = arith.constant 1 : i32
    %and3A_64 = vector.broadcast %and3A : i32 to vector<32x8320xi32>
    %and3A_65 = arith.andi %shift_right_arithmetic3A_63, %and3A_64 : vector<32x8320xi32>
    %add3A_66 = arith.addi %add3A_61, %and3A_65 : vector<32x8320xi32>
    %and3A_67 = arith.constant -65536 : i32
    %and3A_68 = vector.broadcast %and3A_67 : i32 to vector<32x8320xi32>
    %and3A_69 = arith.andi %add3A_66, %and3A_68 : vector<32x8320xi32>
    %bitcast_convert_type3A_70 = tpu.bitcast %and3A_69 : vector<32x8320xi32> -> vector<32x8320xf32>
    %get3A_71 = arith.constant 0 : index
    %get3A_72 = arith.constant 0 : index
    %get3A_73 = vector.load %arg7[%get3A_71, %get3A_72] : memref<64x32xf32, #tpu.memory_space<vmem>>, vector<64x32xf32>
    %dot_general3A = arith.constant dense<0.000000e+00> : vector<64x8320xf32>
    %dot_general3A_74 = tpu.matmul %get3A_73, %bitcast_convert_type3A_70, %dot_general3A {dimension_numbers = #tpu.dot_dimension_numbers<[1], [0], [0], [1], [0, 0, 1, 1], [], []>, precision = #tpu.contract_precision<fp32>, transpose_lhs_hint = false} : vector<64x32xf32>, vector<32x8320xf32>, vector<64x8320xf32> -> vector<64x8320xf32>
    %get3A_75 = arith.constant 0 : index
    %get3A_76 = arith.constant 0 : index
    %get3A_77 = vector.load %arg8[%get3A_75, %get3A_76] : memref<64x1xf32, #tpu.memory_space<vmem>>, vector<64x1xf32>
    %add3A_78 = vector.broadcast %get3A_77 : vector<64x1xf32> to vector<64x8320xf32>
    %add3A_79 = arith.addf %dot_general3A_74, %add3A_78 : vector<64x8320xf32>
    %slice3A = vector.extract_strided_slice %add3A_79 {offsets = [0, 0], sizes = [32, 8320], strides = [1, 1]} : vector<64x8320xf32> to vector<32x8320xf32>
    %slice3A_80 = vector.extract_strided_slice %add3A_79 {offsets = [32, 0], sizes = [32, 8320], strides = [1, 1]} : vector<64x8320xf32> to vector<32x8320xf32>
    %logistic3A = arith.negf %slice3A_80 : vector<32x8320xf32>
    %logistic3A_81 = math.exp %logistic3A : vector<32x8320xf32>
    %logistic3A_82 = arith.constant 1.000000e+00 : f32
    %logistic3A_83 = vector.broadcast %logistic3A_82 : f32 to vector<32x8320xf32>
    %logistic3A_84 = arith.addf %logistic3A_83, %logistic3A_81 : vector<32x8320xf32>
    %logistic3A_85 = arith.divf %logistic3A_83, %logistic3A_84 : vector<32x8320xf32>
    %mul3A_86 = arith.mulf %slice3A, %logistic3A_85 : vector<32x8320xf32>
    %reduce_sum3A = arith.constant dense<0.000000e+00> : vector<8320xf32>
    %reduce_sum3A_87 = vector.multi_reduction <add>, %mul3A_86, %reduce_sum3A [0] : vector<32x8320xf32> to vector<8320xf32>
    %broadcast_in_dim3A = vector.shape_cast %reduce_sum3A_87 : vector<8320xf32> to vector<1x8320xf32>
    %div3A_88 = arith.constant 3.200000e+01 : f32
    %div3A_89 = vector.broadcast %div3A_88 : f32 to vector<1x8320xf32>
    %div3A_90 = arith.divf %broadcast_in_dim3A, %div3A_89 : vector<1x8320xf32>
    %sub3A_91 = vector.broadcast %div3A_90 : vector<1x8320xf32> to vector<32x8320xf32>
    %sub3A_92 = arith.subf %mul3A_86, %sub3A_91 : vector<32x8320xf32>
    %mul3A_93 = arith.mulf %sub3A_92, %sub3A_92 : vector<32x8320xf32>
    %reduce_sum3A_94 = arith.constant dense<0.000000e+00> : vector<8320xf32>
    %reduce_sum3A_95 = vector.multi_reduction <add>, %mul3A_93, %reduce_sum3A_94 [0] : vector<32x8320xf32> to vector<8320xf32>
    %broadcast_in_dim3A_96 = vector.shape_cast %reduce_sum3A_95 : vector<8320xf32> to vector<1x8320xf32>
    %div3A_97 = arith.constant 3.200000e+01 : f32
    %div3A_98 = vector.broadcast %div3A_97 : f32 to vector<1x8320xf32>
    %div3A_99 = arith.divf %broadcast_in_dim3A_96, %div3A_98 : vector<1x8320xf32>
    %add3A_100 = arith.constant 9.99999974E-6 : f32
    %add3A_101 = vector.broadcast %add3A_100 : f32 to vector<1x8320xf32>
    %add3A_102 = arith.addf %div3A_99, %add3A_101 : vector<1x8320xf32>
    %sqrt3A = math.sqrt %add3A_102 : vector<1x8320xf32>
    %div3A_103 = vector.broadcast %sqrt3A : vector<1x8320xf32> to vector<32x8320xf32>
    %div3A_104 = arith.divf %sub3A_92, %div3A_103 : vector<32x8320xf32>
    %mul3A_105 = vector.broadcast %get3A_25 : vector<32x1xf32> to vector<32x8320xf32>
    %mul3A_106 = arith.mulf %div3A_104, %mul3A_105 : vector<32x8320xf32>
    %add3A_107 = vector.broadcast %get3A_28 : vector<32x1xf32> to vector<32x8320xf32>
    %add3A_108 = arith.addf %mul3A_106, %add3A_107 : vector<32x8320xf32>
    %ge3A_109 = arith.constant 0.000000e+00 : f32
    %ge3A_110 = vector.broadcast %ge3A_109 : f32 to vector<32x8320xf32>
    %ge3A_111 = arith.cmpf oge, %add3A_108, %ge3A_110 : vector<32x8320xf32>
    %mul3A_112 = vector.broadcast %get3A_31 : vector<32x1xf32> to vector<32x8320xf32>
    %mul3A_113 = arith.mulf %mul3A_112, %add3A_108 : vector<32x8320xf32>
    %select_n3A_114 = arith.select %ge3A_111, %add3A_108, %mul3A_113 : vector<32x8320xi1>, vector<32x8320xf32>
    %swap3A = arith.constant 0 : index
    %swap3A_115 = arith.constant 0 : index
    %swap3A_116 = arith.constant 0 : index
    %swap3A_117 = vector.load %arg10[%swap3A, %swap3A_115, %swap3A_116] : memref<1x32x8320xf32, #tpu.memory_space<vmem>>, vector<1x32x8320xf32>
    %swap3A_118 = vector.shape_cast %swap3A_117 : vector<1x32x8320xf32> to vector<32x8320xf32>
    %swap3A_119 = vector.shape_cast %select_n3A_114 : vector<32x8320xf32> to vector<1x32x8320xf32>
    tpu.vector_store %arg10[%swap3A, %swap3A_115, %swap3A_116], %swap3A_119 {strides = array<i32>} : memref<1x32x8320xf32, #tpu.memory_space<vmem>>, vector<1x32x8320xf32>,
    %get3A_120 = arith.constant 0 : index
    %get3A_121 = arith.constant 0 : index
    %get3A_122 = vector.load %arg4[%get3A_120, %get3A_121] : memref<1x8320xf32, #tpu.memory_space<vmem>>, vector<1x8320xf32>
    %sub3A_123 = vector.broadcast %get3A_122 : vector<1x8320xf32> to vector<32x8320xf32>
    %sub3A_124 = arith.subf %select_n3A_114, %sub3A_123 : vector<32x8320xf32>
    %mul3A_125 = arith.mulf %sub3A_124, %sub3A_124 : vector<32x8320xf32>
    %get3A_126 = arith.constant 0 : index
    %get3A_127 = arith.constant 0 : index
    %get3A_128 = vector.load %arg9[%get3A_126, %get3A_127] : memref<8320x128xf32, #tpu.memory_space<vmem>>, vector<8320x128xf32>
    %dot_general3A_129 = arith.constant dense<0.000000e+00> : vector<32x128xf32>
    %dot_general3A_130 = tpu.matmul %mul3A_125, %get3A_128, %dot_general3A_129 {dimension_numbers = #tpu.dot_dimension_numbers<[1], [0], [0], [1], [0, 0, 1, 1], [], []>, precision = #tpu.contract_precision<fp32>, transpose_lhs_hint = false} : vector<32x8320xf32>, vector<8320x128xf32>, vector<32x128xf32> -> vector<32x128xf32>
    %mul3A_131 = arith.constant 128 : i32
    %mul3A_132 = arith.muli %arg1, %mul3A_131 : i32
    %swap3A_133 = arith.constant 0 : index
    %swap3A_134 = arith.index_cast %mul3A_132 : i32 to index
    %swap3A_135 = vector.load %arg12[%swap3A_133, %swap3A_134] : memref<32x512xf32, #tpu.memory_space<vmem>>, vector<32x128xf32>
    tpu.vector_store %arg12[%swap3A_133, %swap3A_134], %dot_general3A_130 {strides = array<i32>} : memref<32x512xf32, #tpu.memory_space<vmem>>, vector<32x128xf32>,
    %eq3A = arith.constant 3 : i32
    %eq3A_136 = arith.cmpi eq, %arg1, %eq3A : i32
    %convert_element_type3A = arith.extui %eq3A_136 : i1 to i32
    %cond3A = arith.constant 0 : i32
    %cond3A_137 = arith.cmpi ne, %convert_element_type3A, %cond3A : i32
    scf.if %cond3A_137 {
      %get3A_138 = arith.constant 0 : index
      %get3A_139 = arith.constant 0 : index
      %get3A_140 = vector.load %arg12[%get3A_138, %get3A_139] : memref<32x512xf32, #tpu.memory_space<vmem>>, vector<32x512xf32>
      %reduce_min3A = arith.constant dense<0x7F800000> : vector<32xf32>
      %reduce_min3A_141 = vector.multi_reduction <minimumf>, %get3A_140, %reduce_min3A [1] : vector<32x512xf32> to vector<32xf32>
      %broadcast_in_dim3A_142 = vector.shape_cast %reduce_min3A_141 : vector<32xf32> to vector<32x1xf32>
      %iota3A = tpu.iota {dimensions = array<i32: 1>} : vector<32x512xi32>
      %le3A = vector.broadcast %broadcast_in_dim3A_142 : vector<32x1xf32> to vector<32x512xf32>
      %le3A_143 = arith.cmpf ole, %get3A_140, %le3A : vector<32x512xf32>
      %jit3A = arith.constant 512 : i32
      %broadcast_in_dim3A_144 = vector.broadcast %jit3A : i32 to vector<32x512xi32>
      %select_n3A_145 = arith.select %le3A_143, %iota3A, %broadcast_in_dim3A_144 : vector<32x512xi1>, vector<32x512xi32>
      %reduce_min3A_146 = arith.constant dense<2147483647> : vector<32xi32>
      %reduce_min3A_147 = vector.multi_reduction <minsi>, %select_n3A_145, %reduce_min3A_146 [1] : vector<32x512xi32> to vector<32xi32>
      %broadcast_in_dim3A_148 = vector.shape_cast %reduce_min3A_147 : vector<32xi32> to vector<32x1xi32>
      %eq3A_149 = vector.broadcast %broadcast_in_dim3A_148 : vector<32x1xi32> to vector<32x512xi32>
      %eq3A_150 = arith.cmpi eq, %iota3A, %eq3A_149 : vector<32x512xi32>
      %convert_element_type3A_151 = arith.extui %eq3A_150 : vector<32x512xi1> to vector<32x512xi32>
      %convert_element_type3A_152 = arith.sitofp %convert_element_type3A_151 : vector<32x512xi32> to vector<32x512xf32>
      %get3A_153 = arith.constant 0 : index
      %get3A_154 = arith.constant 0 : index
      %get3A_155 = vector.load %arg5[%get3A_153, %get3A_154] : memref<512x65xf32, #tpu.memory_space<vmem>>, vector<512x65xf32>
      %dot_general3A_156 = arith.constant dense<0.000000e+00> : vector<32x65xf32>
      %dot_general3A_157 = tpu.matmul %convert_element_type3A_152, %get3A_155, %dot_general3A_156 {dimension_numbers = #tpu.dot_dimension_numbers<[1], [0], [0], [1], [0, 0, 1, 1], [], []>, precision = #tpu.contract_precision<fp32>, transpose_lhs_hint = false} : vector<32x512xf32>, vector<512x65xf32>, vector<32x65xf32> -> vector<32x65xf32>
      %swap3A_158 = arith.constant 0 : index
      %swap3A_159 = arith.constant 0 : index
      %swap3A_160 = arith.constant 0 : index
      %swap3A_161 = arith.constant 0 : index
      %swap3A_162 = vector.load %arg11[%swap3A_158, %swap3A_159, %swap3A_160, %swap3A_161] : memref<1x32x1x65xf32, #tpu.memory_space<vmem>>, vector<1x32x1x65xf32>
      %swap3A_163 = vector.shape_cast %swap3A_162 : vector<1x32x1x65xf32> to vector<32x65xf32>
      %swap3A_164 = vector.shape_cast %dot_general3A_157 : vector<32x65xf32> to vector<1x32x1x65xf32>
      tpu.vector_store %arg11[%swap3A_158, %swap3A_159, %swap3A_160, %swap3A_161], %swap3A_164 {strides = array<i32>} : memref<1x32x1x65xf32, #tpu.memory_space<vmem>>, vector<1x32x1x65xf32>,
    } else {
    }
    return
  }
  func.func @transform_0(%arg0: i32, %arg1: i32) -> (i32, i32, i32) {
    %c0_i32 = arith.constant 0 : i32
    %c0_i32_0 = arith.constant 0 : i32
    return %arg0, %c0_i32, %arg1 : i32, i32, i32
  }
  func.func @transform_1(%arg0: i32, %arg1: i32) -> (i32, i32, i32) {
    %c0_i32 = arith.constant 0 : i32
    %c0_i32_0 = arith.constant 0 : i32
    return %arg0, %c0_i32, %arg1 : i32, i32, i32
  }
  func.func @transform_2(%arg0: i32, %arg1: i32) -> (i32, i32) {
    %c0_i32 = arith.constant 0 : i32
    %c0_i32_0 = arith.constant 0 : i32
    return %c0_i32, %arg1 : i32, i32
  }
  func.func @transform_3(%arg0: i32, %arg1: i32) -> (i32, i32) {
    %c0_i32 = arith.constant 0 : i32
    %c0_i32_0 = arith.constant 0 : i32
    %c0_i32_1 = arith.constant 0 : i32
    return %c0_i32, %c0_i32_0 : i32, i32
  }
  func.func @transform_4(%arg0: i32, %arg1: i32) -> (i32, i32) {
    %c0_i32 = arith.constant 0 : i32
    %c0_i32_0 = arith.constant 0 : i32
    %c0_i32_1 = arith.constant 0 : i32
    return %c0_i32, %c0_i32_0 : i32, i32
  }
  func.func @transform_5(%arg0: i32, %arg1: i32) -> (i32, i32) {
    %c0_i32 = arith.constant 0 : i32
    %c0_i32_0 = arith.constant 0 : i32
    %c0_i32_1 = arith.constant 0 : i32
    return %c0_i32, %c0_i32_0 : i32, i32
  }
  func.func @transform_6(%arg0: i32, %arg1: i32) -> (i32, i32) {
    %c0_i32 = arith.constant 0 : i32
    %c0_i32_0 = arith.constant 0 : i32
    %c0_i32_1 = arith.constant 0 : i32
    return %c0_i32, %c0_i32_0 : i32, i32
  }
  func.func @transform_7(%arg0: i32, %arg1: i32) -> (i32, i32) {
    %c0_i32 = arith.constant 0 : i32
    %c0_i32_0 = arith.constant 0 : i32
    %c0_i32_1 = arith.constant 0 : i32
    return %c0_i32, %c0_i32_0 : i32, i32
  }
  func.func @transform_8(%arg0: i32, %arg1: i32) -> (i32, i32, i32) {
    %c0_i32 = arith.constant 0 : i32
    %c0_i32_0 = arith.constant 0 : i32
    return %arg0, %c0_i32, %arg1 : i32, i32, i32
  }
  func.func @transform_9(%arg0: i32, %arg1: i32) -> (i32, i32, i32, i32) {
    %c0_i32 = arith.constant 0 : i32
    %c0_i32_0 = arith.constant 0 : i32
    %c0_i32_1 = arith.constant 0 : i32
    %c0_i32_2 = arith.constant 0 : i32
    return %arg0, %c0_i32, %c0_i32_0, %c0_i32_1 : i32, i32, i32, i32
  }
}

module attributes {stable_mosaic.version = 14 : i64} {
  func.func @_bcast_body(%arg0: i32, %arg1: i32, %arg2: memref<1x32x65xf32, #tpu.memory_space<vmem>>, %arg3: memref<1x32x128x65xf32, #tpu.memory_space<vmem>>) attributes {dimension_semantics = [#tpu.dimension_semantics<arbitrary>, #tpu.dimension_semantics<arbitrary>], iteration_bounds = array<i64: 32, 4>, scalar_prefetch = 0 : i64, scratch_operands = 0 : i64, tpu.core_type = #tpu.core_type<tc>, window_params = [{transform_indices = @transform_0, window_bounds = array<i64: 1, 32, 65>}, {transform_indices = @transform_1, window_bounds = array<i64: 1, 32, 128, 65>}]} {
    %get3A = arith.constant 0 : index
    %get3A_0 = arith.constant 0 : index
    %get3A_1 = arith.constant 0 : index
    %get3A_2 = vector.load %arg2[%get3A, %get3A_0, %get3A_1] : memref<1x32x65xf32, #tpu.memory_space<vmem>>, vector<1x32x65xf32>
    %squeeze3A = vector.shape_cast %get3A_2 : vector<1x32x65xf32> to vector<32x65xf32>
    %broadcast_in_dim3A = vector.shape_cast %squeeze3A : vector<32x65xf32> to vector<32x1x65xf32>
    %broadcast_in_dim3A_3 = vector.shape_cast %broadcast_in_dim3A : vector<32x1x65xf32> to vector<32x1x65xf32>
    %broadcast_in_dim3A_4 = vector.broadcast %broadcast_in_dim3A_3 : vector<32x1x65xf32> to vector<32x128x65xf32>
    %swap3A = arith.constant 0 : index
    %swap3A_5 = arith.constant 0 : index
    %swap3A_6 = arith.constant 0 : index
    %swap3A_7 = arith.constant 0 : index
    %swap3A_8 = vector.load %arg3[%swap3A, %swap3A_5, %swap3A_6, %swap3A_7] : memref<1x32x128x65xf32, #tpu.memory_space<vmem>>, vector<1x32x128x65xf32>
    %swap3A_9 = vector.shape_cast %swap3A_8 : vector<1x32x128x65xf32> to vector<32x128x65xf32>
    %swap3A_10 = vector.shape_cast %broadcast_in_dim3A_4 : vector<32x128x65xf32> to vector<1x32x128x65xf32>
    tpu.vector_store %arg3[%swap3A, %swap3A_5, %swap3A_6, %swap3A_7], %swap3A_10 {strides = array<i32>} : memref<1x32x128x65xf32, #tpu.memory_space<vmem>>, vector<1x32x128x65xf32>,
    return
  }
  func.func @transform_0(%arg0: i32, %arg1: i32) -> (i32, i32, i32) {
    %c0_i32 = arith.constant 0 : i32
    %c0_i32_0 = arith.constant 0 : i32
    %c0_i32_1 = arith.constant 0 : i32
    return %arg0, %c0_i32, %c0_i32_0 : i32, i32, i32
  }
  func.func @transform_1(%arg0: i32, %arg1: i32) -> (i32, i32, i32, i32) {
    %c0_i32 = arith.constant 0 : i32
    %c0_i32_0 = arith.constant 0 : i32
    %c0_i32_1 = arith.constant 0 : i32
    return %arg0, %c0_i32, %arg1, %c0_i32_0 : i32, i32, i32, i32
  }
}

</mosaic_0001>

<sc_bundles>
// kernel: sparse-core-data-format-call.cloned.1.call-start
scs
called_computation_lowered:
.L_overlay_start_0:
0x0: {  	s2 =	sld [smem:$0x3FD9]  }
0x1: {  	s3 =	sld [smem:$0x3FFE];
	_ =	sdelay $0x1  }
0x2: {  	s1 =	srdreg.scid  }
0x3: {  	s0 =	sand.u32 $0x1, s1  }
0x4: {  	s15 =	sshll.u32 s0, $0xA;
	s2 =	sadd.s32 s3, s2  }
0x5: {  	s2 =	sadd.s32 s2, s15  }
0x6: {  	[smem:$0x3FBB] =	sst s2  }
0x7: {  	_ = 	snop  }
0x8: {  	s2 =	sld [smem:$0x3FD0];
	_ =	sdelay $0x2  }
0x9: {  	s16 =	simm.s32 $0xA;
	s4 =	simm.s32 $0x10  }
0xa: {  	[smem:s4], [sflag:s16] =	dma.local [hbm:s2], $0x1  }
0xb: {  	_ =	swait.eq [sflag:s16], $0x1  }
0xc: {  	[sflag:s16] =	ssyncset.done $0x0  }
0xd: {  	[sflag:s16] =	ssyncadd.s32 $0xFFFFFFFF  }
0xe: {  	s17 =	sld [smem:$0x11];
	(tm) =	ssettm $0x1  }
0xf: {  	s18 =	sld [smem:$0x3FFB];
	_ =	sdelay $0x3  }
0x10: {  	_ =	strace s18  }
0x11: {  	s3 =	sld [smem:$0x3FFC];
	_ =	sdelay $0x3  }
0x12: {  	_ =	strace s3  }
0x13: {  	s3 =	sld [smem:$0x3FFD];
	_ =	sdelay $0x3  }
0x14: {  	_ =	strace s3  }
0x15: {  	_ =	strace $0x8FFFFFFF  }
0x16: {  	s19 =	sld [smem:$0x3FDB];
	_ =	sdelay $0x1  }
0x17: {  	s20 =	simm.s32 $_scs_section_size  }
0x18: {  	s5 =	simm.s32 $_size__tile_overlayer_lowered;
	s6 =	simm.s32 $_tile_overlayer_lowered  }
0x19: {  	s23 =	simm.s32 $0x1BFF;
	s22 =	sshll.u32 s6, $0x1;
	s3 =	sadd.s32 s20, s19  }
0x1a: {  	s7 =	simm.s32 $0x0;
	s21 =	sshll.u32 s5, $0x1;
	s5 =	sadd.s32 s22, s3  }
0x1b: {  	[timem:s7], [sflag:s23] =	dma.local [hbm:s5], s21  }
0x1c: {  	_ =	swait.ge [sflag:s23], s21  }
0x1d: {  	s4 =	ssub.s32 $0x0, s21;
	[sflag:s23] =	ssyncset.done $0x0  }
0x1e: {  	[sflag:s23] =	ssyncadd.s32 s4;
	_ =	sdelay $0x1  }
0x1f: {  	s24 =	simm.s32 $0x1B8B  }
0x20: {  	_ =	swait.ge [sflag:s24], $0x1  }
0x21: {  	[sflag:s24] =	ssyncset.done $0x0  }
0x22: {  	s26 =	simm.s32 $0x1B8E;
	s25 =	sld [smem:$0x3FFE];
	[sflag:s24] =	ssyncadd.s32 $0xFFFFFFFF  }
0x23: {  	s27 =	simm.s32 $execute0_lowered;
	[smem:$0x3FD2] =	sst s26  }
0x24: {  	s5 =	sshll.u32 s27, $0x1;
	_ =	strace $0x80000046;
	[dreg:$0x1] =	wrdreg $0xFFFFFFFF  }
0x25: {  	s28 =	simm.s32 $_size_execute0_lowered;
	s3 =	sadd.s32 s3, s5;
	[dreg:$0x0] =	wrdreg $0x0  }
0x26: {  	s5 =	sshll.u32 s28, $0x1;
	[dreg:$0x2] =	wrdreg s3  }
0x27: {  	[dreg:$0x3] =	wrdreg s5  }
0x28: {  	[dreg:$0x4] =	wrdreg $0xC0  }
0x29: {  	_ =	task [dreg:s7], $0x5FFFF  }
0x2a: {  	[dreg:$0x1] =	wrdreg $0xFFFFFFFF  }
0x2b: {  	[dreg:$0x0] =	wrdreg $0x60  }
0x2c: {  	[dreg:$0x2] =	wrdreg s25  }
0x2d: {  	[dreg:$0x3] =	wrdreg s17  }
0x2e: {  	[dreg:$0x4] =	wrdreg $0x9  }
0x2f: {  	_ =	task.clear_ibuf [dreg:s7], $0x5FFFF;
	_ =	strace $0x90000046  }
0x30: {  	s29 =	simm.s32 $0x9;
	_ =	strace $0x80000048  }
0x31: {  	_ =	swait.ge [sflag:s29], $0x1  }
0x32: {  	[sflag:s29] =	ssyncadd.s32 $0xFFFFFFFF  }
0x33: {  	_ =	strace $0x90000048  }
0x34: {  	_ =	sfence  }
0x35: {  	s30 =	sld [smem:$0x0];
	_ =	sdelay $0x2  }
0x36: {  	s31 =	sshll.u32 s1, $0xD;
	s1 =	sshrl.u32 s1, $0x2  }
0x37: {  	s3 =	sand.u32 $0x4000, s31;
	s1 =	sadd.s32 s1, s30  }
0x38: {  	s0 =	sor.u32 s3, s0;
	s1 =	sshll.u32 s1, $0x11  }
0x39: {  	s0 =	sor.u32 s1, s0  }
0x3a: {  	s0 =	sadd.s32 $0x8F2B, s0  }
0x3b: {  	[sflag:s0] =	ssyncadd.remote.s32 $0x1  }
0x3c: {  	_ =	sfence.sel $0xFFFF  }
0x3d: {  	[dreg:$0x0] =	wrdreg $0xFFFFFFFF;
	(pc) =	sbr.abs _section_cstart, $3  }
0x3e: {  	[dreg:$0x1] =	wrdreg $0xFFFFFFFF  }
0x3f: {  	_ =	task.clear_ibuf [dreg:s7], $0x2FFFF;
	_ =	strace $0x9FFFFFFF  }
0x40: {  	(tm) =	ssettm $0x7FFFFFFF  }
0x41: {  	_ =	shalt  }
tec
execute0_lowered:
.L_overlay_start_1:
0x0: {  	(tag) =	ssettag $0x1  }
0x1: {  	s1 =	rddreg [dreg:$0x0]  }
0x2: {  	s2 =	rddreg [dreg:$0x1]  }
0x3: {  	s0 =	rddreg [dreg:$0x2]  }
0x4: {  	s4 =	srdreg.scid;
	_ =	strace $0x80000047;
	s6 =	simm.s32 $0x2  }
0x5: {  	s14 =	simm.s32 $0x0;
	p0 =	por $0x0, $0x0;
	s15 =	simm.s32 $0x0  }
0x6: {  	s16 =	simm.s32 $0x0;
	s7 =	simm.s32 $0x0;
	s9 =	simm.s32 $0x0  }
.Ltmp0:
0x7: {  	s10 =	simm.s32 $0x0;
	s11 =	simm.s32 $0x0;
	(pc) =	sbr.rel .LBB1_1-.Ltmp0, $4  }
0x8: {  	s12 =	simm.s32 $0x0;
	s3 =	sadd.s32 $0x1400, s1;
	s4 =	sshll.u32 s4, $0x4  }
0x9: {  	s1 =	stileid.u32;
	s5 =	sand.u32 $0x10, s4;
	s4 =	simm.s32 $0x1  }
0xa: {  	s8 =	simm.s32 $0x0;
	s5 =	sor.u32 s1, s5;
	[sflag:s4] =	ssyncpa.u1 $0x0  }
0xb: {  	[sflag:s6] =	ssyncpa.u1 $0x0;
	s6 =	simm.s32 $0x4000;
	s13 =	smov.u32 s5  }
.LBB1_5:
0xc: {  	p1 =	slt.u32 s8, $0x2  }
0xd: {  	p2 =	sgt.s32 @!p1 s16, $0x1F  }
0xe: {  	s17 =	smov.u32 s16;
	s18 =	sshra.s32 @!p1 s16, $0x1F;
	p2 =	por !p2, p1  }
0xf: {  	s16 =	sand.u32 @!p1 s18, s16;
	s17 =	simm.s32 @p2 $0x1F  }
0x10: {  	p2 =	sgt.s32 @!p1 s15, $0x1F;
	s16 =	ssub.s32 @!p1 s17, s16  }
0x11: {  	s18 =	sshra.s32 @!p1 s15, $0x1F;
	p2 =	por !p2, p1;
	s17 =	sadd.s32 @!p1 $0xFFFFFFE1, s16  }
0x12: {  	s16 =	ssub.s32 @!p1 $0x20, s16;
	p3 =	sgt.s32 @!p1 s17, $0x0;
	s17 =	smov.u32 s15  }
0x13: {  	s15 =	sand.u32 @!p1 s18, s15;
	s16 =	smul.u32 @!p1 $0x41, s16;
	s17 =	simm.s32 @p2 $0x1F  }
0x14: {  	s18 =	smov.u32 s14;
	p2 =	sgt.s32 @!p1 s14, $0x180;
	s15 =	ssub.s32 @!p1 s17, s15  }
0x15: {  	p3 =	por !p3, p1;
	p2 =	por !p2, p1;
	s17 =	sadd.s32 @!p1 $0xFFFFFFE1, s15  }
0x16: {  	s18 =	simm.s32 @p2 $0x180;
	p2 =	sgt.s32 @!p1 s17, $0x0;
	s17 =	sshra.s32 @!p1 s14, $0x1F  }
0x17: {  	s15 =	ssub.s32 @!p1 $0x20, s15;
	p2 =	por !p2, p1;
	s14 =	sand.u32 @!p1 s17, s14  }
0x18: {  	s16 =	simm.s32 @!p3 $0x0;
	s15 =	simm.s32 @!p2 $0x0;
	s14 =	ssub.s32 @!p1 s18, s14  }
0x19: {  	s17 =	sadd.s32 $0x80, s11;
	s15 =	smul.u32 @!p1 s15, s16;
	s16 =	sadd.s32 @!p1 $0xFFFFFE80, s14  }
0x1a: {  	p3 =	sgt.s32 s17, $0x1FF;
	p2 =	sgt.s32 @!p1 s16, $0x7F;
	s16 =	simm.s32 $0x1  }
0x1b: {  	s14 =	ssub.s32 @!p1 $0x200, s14;
	p2 =	por !p2, p1;
	s16 =	simm.s32 @!p3 $0x0  }
0x1c: {  	s19 =	smov.u32 s13;
	s14 =	simm.s32 @!p2 $0x0;
	s18 =	sadd.s32 s16, s12  }
0x1d: {  	s14 =	smul.u32 @!p1 s14, s15;
	p2 =	sgt.s32 s18, $0x1F;
	s15 =	sadd.s32 $0x20, s13  }
0x1e: {  	s8 =	sadd.s32 $0x1, s8;
	p0 =	por !p0, !p0;
	s19 =	smov.u32 @p2 s15  }
0x1f: {  	s20 =	simm.s32 @!p1 $0x2;
	s18 =	simm.s32 @p2 $0x0;
	p2 =	sgt.s32 s19, $0x1F  }
0x20: {  	s17 =	simm.s32 @p3 $0x0;
	s19 =	smov.u32 @p2 s5;
	p2 =	sne.s32 s8, $0x82  }
.Ltmp1:
0x21: {  	s16 =	smov.u32 s10;
	s10 =	smov.u32 s13;
	(pc) =	sbr.rel @!p2 .LBB1_6-.Ltmp1, $4  }
0x22: {  	s15 =	smov.u32 s9;
	s9 =	smov.u32 s12;
	s14 =	sand.u32 @!p1 $0x3FFFFFFF, s14  }
0x23: {  	s12 =	smov.u32 s18;
	_ =	swait.ge @!p1 [sflag:s20], s14;
	s21 =	ssub.s32 @!p1 $0x0, s14  }
0x24: {  	s14 =	smov.u32 s7;
	s7 =	smov.u32 s11;
	[sflag:s20] =	ssyncset.done @!p1 $0x0  }
0x25: {  	s11 =	smov.u32 s17;
	s13 =	smov.u32 s19;
	[sflag:s20] =	ssyncadd.s32 @!p1 s21  }
.LBB1_1:
0x26: {  	p1 =	sgt.u32 s8, $0x7F  }
0x27: {  	s17 =	sxor.u32 @!p1 $0xFFFFFFFF, s8;
	s18 =	sshll.u32 @!p1 s13, $0x12  }
0x28: {  	s19 =	sshll.u32 @!p1 s12, $0xD;
	s20 =	sshll.u32 @!p1 s11, $0x4;
	s18 =	sadd.s32 @!p1 s3, s18  }
0x29: {  	s17 =	sshll.u32 @!p1 s17, $0xE;
	s20 =	sand.u32 @!p1 $0x1FF0, s20;
	s18 =	sadd.s32 @!p1 s19, s18  }
0x2a: {  	s17 =	sand.u32 @!p1 $0x4000, s17;
	s19 =	simm.s32 @!p1 $0x0;
	s18 =	sadd.s32 @!p1 s20, s18  }
0x2b: {  	[tilespmem:s17], [sflag:$0x1] =	stream.linear.gather @!p1 [hbm4b:s18+s19], $0x4000, $0x38;
	[tilespmem:$0x10100] =	vst v63  }
0x2c: {  	p1 =	seq.s32 s8, $0x0  }
0x2d: {  	p2 =	seq.s32 @!p1 s8, $0x81  }
0x2e: {  	p1 =	por p1, p2  }
.Ltmp2:
0x2f: {  	_ = 	snop;
	(pc) =	sbr.rel @p1 .LBB1_5-.Ltmp2, $1  }
0x30: {  	_ =	sdelay $0x3  }
0x31: {  	s17 =	simm.s32 $0x1  }
0x32: {  	_ =	swait.ge [sflag:s4], $0x4000;
	s17 =	simm.s32 @!p0 $0x0  }
0x33: {  	[sflag:s4] =	ssyncset.done $0x0;
	s18 =	sshll.u32 s17, $0xE  }
0x34: {  	[sflag:s4] =	ssyncadd.s32 $0xFFFFC000;
	s18 =	sor.u32 $0x40, s18  }
0x35: {  	s17 =	smul.u32 $0x10200, s17;
	v0 =	vld [tilespmem:s18+$0x30]  }
0x36: {  	v1 =	vld [tilespmem:s18+$0xFFFFFFD0]  }
0x37: {  	s17 =	sshrl.u32 s17, $0x2;
	v5 =	vld [tilespmem:s18+$0xFFFFFFE0]  }
0x38: {  	v6 =	vld [tilespmem:s18+$0xFFFFFFF0];
	s20 =	sor.u32 $0x8000, s17  }
0x39: {  	s31 =	sand.u32 $0x1, s8;
	v4 =	vld [tilespmem:s18+$0x0];
	s19 =	sadd.s32 $0x0, s20  }
0x3a: {  	v3 =	vld [tilespmem:s18+$0x10];
	s17 =	smul.u32 $0x10200, s31;
	[tilespmem:s19+$0x3870 ss:$0x81] =	vst.msk $0xffff, v0  }
0x3b: {  	v2 =	vld [tilespmem:s18+$0x20];
	[tilespmem:s19+$0x810 ss:$0x81] =	vst.msk $0xffff, v1  }
0x3c: {  	s17 =	sshrl.u32 s17, $0x2;
	v0 =	vld [tilespmem:s18+$0xFFFFFFC0];
	[tilespmem:s19+$0x1020 ss:$0x81] =	vst.msk $0xffff, v5;
	s18 =	sadd.s32 $0x80, s18  }
0x3d: {  	s21 =	simm.s32 $0x4;
	s22 =	simm.s32 $0x8;
	s17 =	sor.u32 $0x8000, s17;
	[tilespmem:s19+$0x1830 ss:$0x81] =	vst.msk $0xffff, v6;
	v1 =	vld [tilespmem:s18+$0x30]  }
.LBB1_3:
0x3e: {  	p1 =	sne.s32 s22, $0x1FC;
	v5 =	vld [tilespmem:s18+$0xFFFFFFD0];
	[tilespmem:s19+$0x2040 ss:$0x81] =	vst.msk $0xffff, v4  }
0x3f: {  	v6 =	vld [tilespmem:s18+$0xFFFFFFE0];
	[tilespmem:s19+$0x2850 ss:$0x81] =	vst.msk $0xffff, v3  }
0x40: {  	s23 =	sshra.s32 s21, $0x2;
	s21 =	smov.u32 s22;
	v7 =	vld [tilespmem:s18+$0xFFFFFFF0];
	[tilespmem:s19+$0x3060 ss:$0x81] =	vst.msk $0xffff, v2  }
.Ltmp3:
0x41: {  	v4 =	vld [tilespmem:s18+$0x0];
	[tilespmem:s19+$0x0 ss:$0x81] =	vst.msk $0xffff, v0;
	s19 =	sadd.s32 s23, s20;
	(pc) =	sbr.rel @p1 .LBB1_3-.Ltmp3, $4  }
0x42: {  	v3 =	vld [tilespmem:s18+$0x10];
	[tilespmem:s19+$0x3870 ss:$0x81] =	vst.msk $0xffff, v1  }
0x43: {  	[tilespmem:s19+$0x810 ss:$0x81] =	vst.msk $0xffff, v5;
	v2 =	vld [tilespmem:s18+$0x20]  }
0x44: {  	v0 =	vld [tilespmem:s18+$0xFFFFFFC0];
	[tilespmem:s19+$0x1020 ss:$0x81] =	vst.msk $0xffff, v6;
	s18 =	sadd.s32 $0x80, s18  }
0x45: {  	s22 =	sadd.s32 $0x4, s22;
	v1 =	vld [tilespmem:s18+$0x30];
	[tilespmem:s19+$0x1830 ss:$0x81] =	vst.msk $0xffff, v7  }
0x46: {  	s21 =	sshra.s32 s21, $0x2  }
0x47: {  	p1 =	sgt.s32 s10, $0x1F;
	s22 =	smov.u32 s10;
	s23 =	sshra.s32 s10, $0x1F  }
0x48: {  	s27 =	sshll.u32 s9, $0x9;
	s24 =	sshll.u32 s7, $0x3;
	s25 =	smov.u32 s9  }
0x49: {  	s20 =	sadd.s32 s21, s20;
	s22 =	simm.s32 @!p1 $0x1F;
	s26 =	sand.u32 s23, s10  }
0x4a: {  	s28 =	sand.u32 $0x3000, s27;
	s29 =	sand.u32 $0x3C00, s24;
	p1 =	sgt.s32 s9, $0x1F  }
0x4b: {  	[tilespmem:s19+$0x2040 ss:$0x81] =	vst.msk $0xffff, v4;
	s27 =	sshra.s32 s7, $0x1F;
	s21 =	ssub.s32 s22, s26;
	s26 =	sshra.s32 s9, $0x1F  }
0x4c: {  	[tilespmem:s19+$0x2850 ss:$0x81] =	vst.msk $0xffff, v3;
	s25 =	simm.s32 @!p1 $0x1F;
	s22 =	sadd.s32 s28, s29;
	s28 =	sshll.u32 s9, $0x7  }
0x4d: {  	v5 =	vld [tilespmem:s18+$0xFFFFFFD0];
	[tilespmem:s19+$0x3060 ss:$0x81] =	vst.msk $0xffff, v2;
	s24 =	sand.u32 s27, s7;
	s30 =	sadd.s32 $0xFFFFFFE1, s21;
	s21 =	ssub.s32 $0x20, s21  }
0x4e: {  	v58 =	vld [tilespmem:s18+$0xFFFFFFE0];
	s26 =	sand.u32 s26, s9;
	[tilespmem:s19+$0x0 ss:$0x81] =	vst.msk $0xffff, v0;
	s29 =	sand.u32 $0x200, s28;
	s19 =	sand.u32 $0x180, s28  }
0x4f: {  	v59 =	vld [tilespmem:s18+$0xFFFFFFF0];
	s28 =	sand.u32 $0x7, s7;
	s21 =	smul.u32 $0x41, s21;
	p1 =	sgt.s32 s30, $0x0  }
0x50: {  	v60 =	vld [tilespmem:s18+$0x0];
	s31 =	ssub.s32 s25, s26;
	s25 =	smov.u32 s7;
	s22 =	sor.u32 s29, s22  }
0x51: {  	v61 =	vld [tilespmem:s18+$0x10];
	s26 =	sadd.s32 $0xFFFFFFE1, s31;
	s21 =	simm.s32 @p1 $0x0;
	p1 =	sgt.s32 s7, $0x180  }
0x52: {  	v62 =	vld [tilespmem:s18+$0x20];
	[tilespmem:s20+$0x3870 ss:$0x81] =	vst.msk $0xffff, v1;
	s23 =	ssub.s32 $0x20, s31;
	s31 =	sand.u32 $0x78, s7;
	s25 =	simm.s32 @!p1 $0x180  }
0x53: {  	v63 =	vld [tilespmem:s18+$0xFFFFFFC0];
	[tilespmem:s20+$0x810 ss:$0x81] =	vst.msk $0xffff, v5;
	s18 =	sor.u32 s31, s19;
	p1 =	sgt.s32 s26, $0x0;
	s24 =	ssub.s32 s25, s24  }
0x54: {  	[tilespmem:s20+$0x1020 ss:$0x81] =	vst.msk $0xffff, v58;
	s23 =	simm.s32 @p1 $0x0;
	s25 =	smul.u32 $0x20800, s10;
	s30 =	sadd.s32 $0xFFFFFE80, s24  }
0x55: {  	[tilespmem:s20+$0x1830 ss:$0x81] =	vst.msk $0xffff, v59;
	s21 =	smul.u32 s23, s21;
	s23 =	ssub.s32 $0x200, s24;
	p1 =	sgt.s32 s30, $0x7F  }
.Ltmp4:
0x56: {  	[tilespmem:s20+$0x2040 ss:$0x81] =	vst.msk $0xffff, v60;
	s26 =	sshrl.u32 s22, $0x3;
	s23 =	simm.s32 @p1 $0x0;
	(pc) =	sbr.rel .LBB1_5-.Ltmp4, $4  }
0x57: {  	[tilespmem:s20+$0x2850 ss:$0x81] =	vst.msk $0xffff, v61;
	s18 =	sshrl.u32 s18, $0x3;
	s27 =	sadd.s32 s2, s25;
	s21 =	smul.u32 s23, s21  }
0x58: {  	s29 =	sshll.u32 s28, $0x12;
	[tilespmem:s20+$0x3060 ss:$0x81] =	vst.msk $0xffff, v62;
	s19 =	sand.u32 $0x7C0, s26;
	s18 =	sadd.s32 s18, s27  }
0x59: {  	[tilespmem:s20+$0x0 ss:$0x81] =	vst.msk $0xffff, v63;
	s31 =	sor.u32 $0x80, s29;
	s18 =	sadd.s32 s19, s18;
	s30 =	sand.u32 $0x3FFFFFFF, s21  }
0x5a: {  	[hbm4b:s18+s31] =	stream.strided.scatter [tilespmem:s17], [sflag:$0x2], s30, s6, s31, $0x20;
	[tilespmem:$0x10100] =	vst v63  }
.LBB1_6:
0x5b: {  	_ =	sfence.sel $0x180000  }
0x5c: {  	s2 =	simm.s32 $0x1;
	[bflag:$0x0] =	sbarrier.arrive $0xFFFF  }
0x5d: {  	s31 =	simm.s32 $0x2;
	[sflag:s2] =	ssyncpa.u1 $0x1  }
0x5e: {  	[sflag:s31] =	ssyncpa.u1 $0x1  }
0x5f: {  	p0 =	sne.s32 s1, $0x0;
	_ =	strace $0x90000047  }
0x60: {  	s0 =	sadd.s32 @!p0 $0x100000, s0;
	[bflag:$0x2] =	sbarrier.arrive $0xFFFF  }
0x61: {  	[sflag:s0] =	ssyncadd.tile.s32 @!p0 $0x1;
	_ =	shalt  }
.Lfunc_end1:
_tile_overlayer_lowered:
.L_overlay_start_2:
0x62: {  	(tag) =	ssettag $0x2  }
0x63: {  	s0 =	rddreg [dreg:$0x0];
	s2 =	stileid.u32  }
0x64: {  	s1 =	rddreg [dreg:$0x1];
	p0 =	sne.s32 s2, $0x0  }
0x65: {  	s3 =	rddreg [dreg:$0x2];
	[bflag:$0x3] =	sbarrier.arrive $0xFFFF;
	s2 =	simm.s32 @!p0 $0x1C01  }
0x66: {  	[timem:s3], [sflag:s2] =	dma.local @!p0 [hbm:s0], s1  }
0x67: {  	s0 =	simm.s32 @!p0 $0x1  }
0x68: {  	_ =	swait.ge @!p0 [sflag:s0], s1  }
0x69: {  	s1 =	ssub.s32 @!p0 $0x0, s1;
	[sflag:s0] =	ssyncset.done @!p0 $0x0  }
0x6a: {  	[sflag:s0] =	ssyncadd.s32 @!p0 s1  }
0x6b: {  	[bflag:$0x3] =	sbarrier.arrive $0xFFFF  }
0x6c: {  	_ =	shalt  }

</sc_bundles>
